<compile_context>
chip_gen: v7x
topology: tpu7x:2x2x1
jax: 0.10.2.dev20260603
libtpu: 0.0.44.dev20260713+nightly
codegen_flags: <defaults>
</compile_context>

<pallas_src>
import functools

import jax
import jax.numpy as jnp
from jax import lax
from jax.experimental import pallas as pl
from jax.experimental.pallas import tpu as pltpu
from jax.experimental.pallas import tpu_sc as plsc

B = 16384
DIM = 10
YEAR_BINS = 20
H1 = 64
H2 = 32

NC = 2
NS = 16
NW = NC * NS
PER_W = B // NW


def _title_gather(idx, table):
    mesh = plsc.VectorSubcoreMesh(core_axis_name="c", subcore_axis_name="s")

    @functools.partial(
        pl.kernel,
        mesh=mesh,
        out_type=jax.ShapeDtypeStruct((B, DIM), jnp.float32),
        scratch_types=[
            pltpu.VMEM((PER_W,), jnp.int32),
            pltpu.VMEM((PER_W, DIM), jnp.float32),
            pltpu.SemaphoreType.DMA,
        ],
    )
    def k(idx_hbm, table_hbm, out_hbm, idx_v, rows_v, sem):
        wid = lax.axis_index("s") * NC + lax.axis_index("c")
        base = wid * PER_W
        pltpu.sync_copy(idx_hbm.at[pl.ds(base, PER_W)], idx_v)

        def fire(i, carry):
            r = idx_v[pl.ds(i, 1)][0]
            pltpu.async_copy(
                table_hbm.at[pl.ds(r, 1)], rows_v.at[pl.ds(i, 1)], sem)
            return carry

        lax.fori_loop(0, PER_W, fire, 0)

        pltpu.make_async_copy(
            table_hbm.at[pl.ds(0, PER_W)], rows_v, sem).wait()
        pltpu.sync_copy(rows_v, out_hbm.at[pl.ds(base, PER_W)])

    return k(idx, table)


def _mlp_body(te_ref, yi_ref, ni_ref, yt_ref, nt_ref,
              w1a_ref, w1b_ref, w1c_ref, b1_ref, w2_ref, b2_ref, out_ref):
    iota = lax.broadcasted_iota(jnp.int32, (1, YEAR_BINS), 1)
    oh_y = (yi_ref[...] == iota).astype(jnp.float32)
    oh_n = (ni_ref[...] == iota).astype(jnp.float32)
    ye = jnp.dot(oh_y, yt_ref[...], preferred_element_type=jnp.float32)
    ne = jnp.dot(oh_n, nt_ref[...], preferred_element_type=jnp.float32)
    h = jnp.dot(te_ref[...], w1a_ref[...], preferred_element_type=jnp.float32)
    h = h + jnp.dot(ye, w1b_ref[...], preferred_element_type=jnp.float32)
    h = h + jnp.dot(ne, w1c_ref[...], preferred_element_type=jnp.float32)
    h = jnp.maximum(h + b1_ref[...], 0.0)
    out_ref[...] = (
        jnp.dot(h, w2_ref[...], preferred_element_type=jnp.float32) + b2_ref[...]
    )


def _mlp(te, yi2, ni2, yt, nt, w1a, w1b, w1c, b1r, w2, b2r):
    BM = 2048
    grid = (B // BM,)
    return pl.pallas_call(
        _mlp_body,
        grid=grid,
        in_specs=[
            pl.BlockSpec((BM, DIM), lambda i: (i, 0)),
            pl.BlockSpec((BM, 1), lambda i: (i, 0)),
            pl.BlockSpec((BM, 1), lambda i: (i, 0)),
            pl.BlockSpec((YEAR_BINS, DIM), lambda i: (0, 0)),
            pl.BlockSpec((YEAR_BINS, DIM), lambda i: (0, 0)),
            pl.BlockSpec((DIM, H1), lambda i: (0, 0)),
            pl.BlockSpec((DIM, H1), lambda i: (0, 0)),
            pl.BlockSpec((DIM, H1), lambda i: (0, 0)),
            pl.BlockSpec((1, H1), lambda i: (0, 0)),
            pl.BlockSpec((H1, H2), lambda i: (0, 0)),
            pl.BlockSpec((1, H2), lambda i: (0, 0)),
        ],
        out_specs=pl.BlockSpec((BM, H2), lambda i: (i, 0)),
        out_shape=jax.ShapeDtypeStruct((B, H2), jnp.float32),
    )(te, yi2, ni2, yt, nt, w1a, w1b, w1c, b1r, w2, b2r)


def kernel(title_idx, year_idx, num_ratings_idx, title_table, year_table,
           nr_table, W1, b1, W2, b2):
    te = _title_gather(title_idx.astype(jnp.int32), title_table)
    yi2 = year_idx.astype(jnp.int32).reshape(B, 1)
    ni2 = num_ratings_idx.astype(jnp.int32).reshape(B, 1)
    return _mlp(
        te, yi2, ni2, year_table, nr_table,
        W1[0:DIM], W1[DIM:2 * DIM], W1[2 * DIM:3 * DIM],
        b1.reshape(1, H1), W2, b2.reshape(1, H2),
    )

# --- scband reference (transcript-rebuilt; emitter-appended) ---
"""Pipeline reference for scband-candidate-model-11493332484734 (READ-ONLY COPY).

The authoritative reference and input builder live on the scoring server;
editing this copy changes nothing except your own understanding.
"""

import jax, jax.numpy as jnp
import numpy as np

VOCAB = 1000000
BATCH = 16384
DIM = 10
YEAR_BINS = 20
LAYERS = [64, 32]


def setup_inputs(seed: int = 0) -> dict:
    key = jax.random.key(seed)
    ks = jax.random.split(key, 10)
    title_idx = jax.random.randint(ks[0], (BATCH,), 0, VOCAB + 1, dtype=jnp.int64 if jax.config.jax_enable_x64 else jnp.int32)
    year_idx = jax.random.randint(ks[1], (BATCH,), 0, YEAR_BINS)
    num_ratings_idx = jax.random.randint(ks[2], (BATCH,), 0, YEAR_BINS)
    title_table = jax.random.normal(ks[3], (VOCAB + 1, DIM), dtype=jnp.float32) * 0.05
    year_table = jax.random.normal(ks[4], (YEAR_BINS, DIM), dtype=jnp.float32) * 0.05
    nr_table = jax.random.normal(ks[5], (YEAR_BINS, DIM), dtype=jnp.float32) * 0.05
    in_dim = 3 * DIM
    W1 = jax.random.normal(ks[6], (in_dim, LAYERS[0]), dtype=jnp.float32) * (1.0 / np.sqrt(in_dim))
    b1 = jnp.zeros((LAYERS[0],), dtype=jnp.float32)
    W2 = jax.random.normal(ks[7], (LAYERS[0], LAYERS[1]), dtype=jnp.float32) * (1.0 / np.sqrt(LAYERS[0]))
    b2 = jnp.zeros((LAYERS[1],), dtype=jnp.float32)
    return {
        'title_idx': title_idx,
        'year_idx': year_idx,
        'num_ratings_idx': num_ratings_idx,
        'title_table': title_table,
        'year_table': year_table,
        'nr_table': nr_table,
        'W1': W1,
        'b1': b1,
        'W2': W2,
        'b2': b2,
    }


def reference(title_idx, year_idx, num_ratings_idx, title_table, year_table, nr_table, W1, b1, W2, b2):
    # GameModel.call: three embedding lookups + concat along axis=1
    te = jnp.take(title_table, title_idx, axis=0)
    ye = jnp.take(year_table, year_idx, axis=0)
    ne = jnp.take(nr_table, num_ratings_idx, axis=0)
    feat = jnp.concatenate([te, ye, ne], axis=1)
    # CandidateModel.dense_layers: Dense(64, relu) -> Dense(32, linear)
    h = jax.nn.relu(feat @ W1 + b1)
    out = h @ W2 + b2
    return out

if __name__ == "__main__":
    import jax
    _d = setup_inputs()
    print(jax.jit(kernel)(*tuple(_d.values())))

</pallas_src>

<mosaic_0001>
#map = affine_map<(d0, d1) -> (0)>
#map1 = affine_map<(d0, d1) -> (0, 0)>
module attributes {stable_mosaic.version = 14 : i64} {
  func.func @k(%arg0: i32, %arg1: i32, %arg2: memref<16384xi32, #tpu.memory_space<hbm>>, %arg3: memref<1000001x10xf32, #tpu.memory_space<hbm>>, %arg4: memref<16384x10xf32, #tpu.memory_space<hbm>>, %arg5: memref<512xi32, #tpu.memory_space<vmem>>, %arg6: memref<512x10xf32, #tpu.memory_space<vmem>>, %arg7: memref<!tpu.dma_semaphore, #tpu.memory_space<semaphore_mem>>) attributes {dimension_semantics = [#tpu.dimension_semantics<core_parallel>, #tpu.dimension_semantics<subcore_parallel>], iteration_bounds = array<i64: 2, 16>, scalar_prefetch = 0 : i64, scratch_operands = 3 : i64, tpu.core_type = #tpu.core_type<sc_vector_subcore>, window_params = [{transform_indices = #map}, {transform_indices = #map1}, {transform_indices = #map1}]} {
    %mul3A = arith.constant 2 : i32
    %mul3A_0 = arith.muli %arg1, %mul3A : i32
    %add3A = arith.addi %mul3A_0, %arg0 : i32
    %mul3A_1 = arith.constant 512 : i32
    %mul3A_2 = arith.muli %add3A, %mul3A_1 : i32
    "tpu.region"() ({
      %run_scoped3A = tpu.sem_alloc : memref<!tpu.dma_semaphore, #tpu.memory_space<semaphore_mem>>
      %dma_start3A = tpu.memref_slice %arg2[%mul3A_2] : memref<16384xi32, #tpu.memory_space<hbm>> -> memref<512xi32, #tpu.memory_space<hbm>>
      %dma_start3A_13 = tpu.memref_slice %arg2[%mul3A_2] : memref<16384xi32, #tpu.memory_space<hbm>> -> memref<512xi32, #tpu.memory_space<hbm>>
      tpu.enqueue_dma source(%dma_start3A_13 : memref<512xi32, #tpu.memory_space<hbm>>) target(%arg5 : memref<512xi32, #tpu.memory_space<vmem>>) target_semaphore(%run_scoped3A : memref<!tpu.dma_semaphore, #tpu.memory_space<semaphore_mem>>)
      %dma_wait3A_14 = tpu.memref_slice %arg2[%mul3A_2] : memref<16384xi32, #tpu.memory_space<hbm>> -> memref<512xi32, #tpu.memory_space<hbm>>
      %dma_wait3A_15 = tpu.memref_slice %arg2[%mul3A_2] : memref<16384xi32, #tpu.memory_space<hbm>> -> memref<512xi32, #tpu.memory_space<hbm>>
      tpu.wait_dma2 semaphore(%run_scoped3A : memref<!tpu.dma_semaphore, #tpu.memory_space<semaphore_mem>>) src(%dma_wait3A_15 : memref<512xi32, #tpu.memory_space<hbm>>) dst(%arg5 : memref<512xi32, #tpu.memory_space<vmem>>)
      tpu.yield
    }) : () -> ()
    %scan3A = arith.constant 0 : i32
    %scan3A_3 = arith.constant 0 : i32
    %scan3A_4 = arith.constant 512 : i32
    %scan3A_5 = arith.addi %scan3A_3, %scan3A_4 : i32
    %scan3A_6 = arith.constant 1 : i32
    scf.for %scan3A_13 = %scan3A_3 to %scan3A_5 step %scan3A_6  : i32 {
      %get3A = arith.index_cast %scan3A_13 : i32 to index
      %get3A_14 = tpu.vector_load %arg5[%get3A] {strides = array<i32>} : memref<512xi32, #tpu.memory_space<vmem>>, vector<1xi32>,
      %get3A_15 = vector.shape_cast %get3A_14 : vector<1xi32> to vector<1xi32>
      %squeeze3A = vector.extract %get3A_15[0] : i32 from vector<1xi32>
      %dma_start3A = arith.constant 0 : i32
      %dma_start3A_16 = tpu.memref_slice %arg6[%scan3A_13, %dma_start3A] : memref<512x10xf32, #tpu.memory_space<vmem>> -> memref<1x10xf32, #tpu.memory_space<vmem>>
      %dma_start3A_17 = arith.constant 0 : i32
      %dma_start3A_18 = tpu.memref_slice %arg3[%squeeze3A, %dma_start3A_17] : memref<1000001x10xf32, #tpu.memory_space<hbm>> -> memref<1x10xf32, #tpu.memory_space<hbm>>
      %dma_start3A_19 = arith.constant 0 : i32
      %dma_start3A_20 = tpu.memref_slice %arg6[%scan3A_13, %dma_start3A_19] : memref<512x10xf32, #tpu.memory_space<vmem>> -> memref<1x10xf32, #tpu.memory_space<vmem>>
      %dma_start3A_21 = arith.constant 0 : i32
      %dma_start3A_22 = tpu.memref_slice %arg3[%squeeze3A, %dma_start3A_21] : memref<1000001x10xf32, #tpu.memory_space<hbm>> -> memref<1x10xf32, #tpu.memory_space<hbm>>
      tpu.enqueue_dma source(%dma_start3A_22 : memref<1x10xf32, #tpu.memory_space<hbm>>) target(%dma_start3A_20 : memref<1x10xf32, #tpu.memory_space<vmem>>) target_semaphore(%arg7 : memref<!tpu.dma_semaphore, #tpu.memory_space<semaphore_mem>>)
    }
    %scan3A_7 = arith.constant 512 : i32
    %dma_wait3A = arith.constant 0 : i32
    %dma_wait3A_8 = arith.constant 0 : i32
    %dma_wait3A_9 = tpu.memref_slice %arg3[%dma_wait3A, %dma_wait3A_8] : memref<1000001x10xf32, #tpu.memory_space<hbm>> -> memref<512x10xf32, #tpu.memory_space<hbm>>
    %dma_wait3A_10 = arith.constant 0 : i32
    %dma_wait3A_11 = arith.constant 0 : i32
    %dma_wait3A_12 = tpu.memref_slice %arg3[%dma_wait3A_10, %dma_wait3A_11] : memref<1000001x10xf32, #tpu.memory_space<hbm>> -> memref<512x10xf32, #tpu.memory_space<hbm>>
    tpu.wait_dma2 semaphore(%arg7 : memref<!tpu.dma_semaphore, #tpu.memory_space<semaphore_mem>>) src(%dma_wait3A_12 : memref<512x10xf32, #tpu.memory_space<hbm>>) dst(%arg6 : memref<512x10xf32, #tpu.memory_space<vmem>>)
    "tpu.region"() ({
      %run_scoped3A = tpu.sem_alloc : memref<!tpu.dma_semaphore, #tpu.memory_space<semaphore_mem>>
      %dma_start3A = arith.constant 0 : i32
      %dma_start3A_13 = tpu.memref_slice %arg4[%mul3A_2, %dma_start3A] : memref<16384x10xf32, #tpu.memory_space<hbm>> -> memref<512x10xf32, #tpu.memory_space<hbm>>
      %dma_start3A_14 = arith.constant 0 : i32
      %dma_start3A_15 = tpu.memref_slice %arg4[%mul3A_2, %dma_start3A_14] : memref<16384x10xf32, #tpu.memory_space<hbm>> -> memref<512x10xf32, #tpu.memory_space<hbm>>
      tpu.enqueue_dma source(%arg6 : memref<512x10xf32, #tpu.memory_space<vmem>>) target(%dma_start3A_15 : memref<512x10xf32, #tpu.memory_space<hbm>>) target_semaphore(%run_scoped3A : memref<!tpu.dma_semaphore, #tpu.memory_space<semaphore_mem>>)
      %dma_wait3A_16 = arith.constant 0 : i32
      %dma_wait3A_17 = tpu.memref_slice %arg4[%mul3A_2, %dma_wait3A_16] : memref<16384x10xf32, #tpu.memory_space<hbm>> -> memref<512x10xf32, #tpu.memory_space<hbm>>
      %dma_wait3A_18 = arith.constant 0 : i32
      %dma_wait3A_19 = tpu.memref_slice %arg4[%mul3A_2, %dma_wait3A_18] : memref<16384x10xf32, #tpu.memory_space<hbm>> -> memref<512x10xf32, #tpu.memory_space<hbm>>
      tpu.wait_dma2 semaphore(%run_scoped3A : memref<!tpu.dma_semaphore, #tpu.memory_space<semaphore_mem>>) src(%arg6 : memref<512x10xf32, #tpu.memory_space<vmem>>) dst(%dma_wait3A_19 : memref<512x10xf32, #tpu.memory_space<hbm>>)
      tpu.yield
    }) : () -> ()
    return
  }
}

module attributes {stable_mosaic.version = 14 : i64} {
  func.func @_mlp_body(%arg0: i32, %arg1: memref<2048x10xf32, #tpu.memory_space<vmem>>, %arg2: memref<2048x1xi32, #tpu.memory_space<vmem>>, %arg3: memref<2048x1xi32, #tpu.memory_space<vmem>>, %arg4: memref<20x10xf32, #tpu.memory_space<vmem>>, %arg5: memref<20x10xf32, #tpu.memory_space<vmem>>, %arg6: memref<10x64xf32, #tpu.memory_space<vmem>>, %arg7: memref<10x64xf32, #tpu.memory_space<vmem>>, %arg8: memref<10x64xf32, #tpu.memory_space<vmem>>, %arg9: memref<1x64xf32, #tpu.memory_space<vmem>>, %arg10: memref<64x32xf32, #tpu.memory_space<vmem>>, %arg11: memref<1x32xf32, #tpu.memory_space<vmem>>, %arg12: memref<2048x32xf32, #tpu.memory_space<vmem>>) attributes {dimension_semantics = [#tpu.dimension_semantics<arbitrary>], iteration_bounds = array<i64: 8>, scalar_prefetch = 0 : i64, scratch_operands = 0 : i64, tpu.core_type = #tpu.core_type<tc>, window_params = [{transform_indices = @transform_0, window_bounds = array<i64: 2048, 10>}, {transform_indices = @transform_1, window_bounds = array<i64: 2048, 1>}, {transform_indices = @transform_2, window_bounds = array<i64: 2048, 1>}, {pipeline_mode = #tpu.pipeline_mode<synchronous>, transform_indices = @transform_3, window_bounds = array<i64: 20, 10>}, {pipeline_mode = #tpu.pipeline_mode<synchronous>, transform_indices = @transform_4, window_bounds = array<i64: 20, 10>}, {pipeline_mode = #tpu.pipeline_mode<synchronous>, transform_indices = @transform_5, window_bounds = array<i64: 10, 64>}, {pipeline_mode = #tpu.pipeline_mode<synchronous>, transform_indices = @transform_6, window_bounds = array<i64: 10, 64>}, {pipeline_mode = #tpu.pipeline_mode<synchronous>, transform_indices = @transform_7, window_bounds = array<i64: 10, 64>}, {pipeline_mode = #tpu.pipeline_mode<synchronous>, transform_indices = @transform_8, window_bounds = array<i64: 1, 64>}, {pipeline_mode = #tpu.pipeline_mode<synchronous>, transform_indices = @transform_9, window_bounds = array<i64: 64, 32>}, {pipeline_mode = #tpu.pipeline_mode<synchronous>, transform_indices = @transform_10, window_bounds = array<i64: 1, 32>}, {transform_indices = @transform_11, window_bounds = array<i64: 2048, 32>}]} {
    %iota3A = tpu.iota {dimensions = array<i32: 1>} : vector<1x20xi32>
    %get3A = arith.constant 0 : index
    %get3A_0 = arith.constant 0 : index
    %get3A_1 = vector.load %arg2[%get3A, %get3A_0] : memref<2048x1xi32, #tpu.memory_space<vmem>>, vector<2048x1xi32>
    %eq3A = vector.broadcast %get3A_1 : vector<2048x1xi32> to vector<2048x20xi32>
    %eq3A_2 = vector.broadcast %iota3A : vector<1x20xi32> to vector<2048x20xi32>
    %eq3A_3 = arith.cmpi eq, %eq3A, %eq3A_2 : vector<2048x20xi32>
    %convert_element_type3A = arith.extui %eq3A_3 : vector<2048x20xi1> to vector<2048x20xi32>
    %convert_element_type3A_4 = arith.sitofp %convert_element_type3A : vector<2048x20xi32> to vector<2048x20xf32>
    %get3A_5 = arith.constant 0 : index
    %get3A_6 = arith.constant 0 : index
    %get3A_7 = vector.load %arg3[%get3A_5, %get3A_6] : memref<2048x1xi32, #tpu.memory_space<vmem>>, vector<2048x1xi32>
    %eq3A_8 = vector.broadcast %get3A_7 : vector<2048x1xi32> to vector<2048x20xi32>
    %eq3A_9 = vector.broadcast %iota3A : vector<1x20xi32> to vector<2048x20xi32>
    %eq3A_10 = arith.cmpi eq, %eq3A_8, %eq3A_9 : vector<2048x20xi32>
    %convert_element_type3A_11 = arith.extui %eq3A_10 : vector<2048x20xi1> to vector<2048x20xi32>
    %convert_element_type3A_12 = arith.sitofp %convert_element_type3A_11 : vector<2048x20xi32> to vector<2048x20xf32>
    %get3A_13 = arith.constant 0 : index
    %get3A_14 = arith.constant 0 : index
    %get3A_15 = vector.load %arg4[%get3A_13, %get3A_14] : memref<20x10xf32, #tpu.memory_space<vmem>>, vector<20x10xf32>
    %dot_general3A = arith.constant dense<0.000000e+00> : vector<2048x10xf32>
    %dot_general3A_16 = tpu.matmul %convert_element_type3A_4, %get3A_15, %dot_general3A {dimension_numbers = #tpu.dot_dimension_numbers<[1], [0], [0], [1], [0, 0, 1, 1], [], []>, transpose_lhs_hint = false} : vector<2048x20xf32>, vector<20x10xf32>, vector<2048x10xf32> -> vector<2048x10xf32>
    %get3A_17 = arith.constant 0 : index
    %get3A_18 = arith.constant 0 : index
    %get3A_19 = vector.load %arg5[%get3A_17, %get3A_18] : memref<20x10xf32, #tpu.memory_space<vmem>>, vector<20x10xf32>
    %dot_general3A_20 = arith.constant dense<0.000000e+00> : vector<2048x10xf32>
    %dot_general3A_21 = tpu.matmul %convert_element_type3A_12, %get3A_19, %dot_general3A_20 {dimension_numbers = #tpu.dot_dimension_numbers<[1], [0], [0], [1], [0, 0, 1, 1], [], []>, transpose_lhs_hint = false} : vector<2048x20xf32>, vector<20x10xf32>, vector<2048x10xf32> -> vector<2048x10xf32>
    %get3A_22 = arith.constant 0 : index
    %get3A_23 = arith.constant 0 : index
    %get3A_24 = vector.load %arg1[%get3A_22, %get3A_23] : memref<2048x10xf32, #tpu.memory_space<vmem>>, vector<2048x10xf32>
    %get3A_25 = arith.constant 0 : index
    %get3A_26 = arith.constant 0 : index
    %get3A_27 = vector.load %arg6[%get3A_25, %get3A_26] : memref<10x64xf32, #tpu.memory_space<vmem>>, vector<10x64xf32>
    %dot_general3A_28 = arith.constant dense<0.000000e+00> : vector<2048x64xf32>
    %dot_general3A_29 = tpu.matmul %get3A_24, %get3A_27, %dot_general3A_28 {dimension_numbers = #tpu.dot_dimension_numbers<[1], [0], [0], [1], [0, 0, 1, 1], [], []>, transpose_lhs_hint = false} : vector<2048x10xf32>, vector<10x64xf32>, vector<2048x64xf32> -> vector<2048x64xf32>
    %get3A_30 = arith.constant 0 : index
    %get3A_31 = arith.constant 0 : index
    %get3A_32 = vector.load %arg7[%get3A_30, %get3A_31] : memref<10x64xf32, #tpu.memory_space<vmem>>, vector<10x64xf32>
    %dot_general3A_33 = arith.constant dense<0.000000e+00> : vector<2048x64xf32>
    %dot_general3A_34 = tpu.matmul %dot_general3A_16, %get3A_32, %dot_general3A_33 {dimension_numbers = #tpu.dot_dimension_numbers<[1], [0], [0], [1], [0, 0, 1, 1], [], []>, transpose_lhs_hint = false} : vector<2048x10xf32>, vector<10x64xf32>, vector<2048x64xf32> -> vector<2048x64xf32>
    %add3A = arith.addf %dot_general3A_29, %dot_general3A_34 : vector<2048x64xf32>
    %get3A_35 = arith.constant 0 : index
    %get3A_36 = arith.constant 0 : index
    %get3A_37 = vector.load %arg8[%get3A_35, %get3A_36] : memref<10x64xf32, #tpu.memory_space<vmem>>, vector<10x64xf32>
    %dot_general3A_38 = arith.constant dense<0.000000e+00> : vector<2048x64xf32>
    %dot_general3A_39 = tpu.matmul %dot_general3A_21, %get3A_37, %dot_general3A_38 {dimension_numbers = #tpu.dot_dimension_numbers<[1], [0], [0], [1], [0, 0, 1, 1], [], []>, transpose_lhs_hint = false} : vector<2048x10xf32>, vector<10x64xf32>, vector<2048x64xf32> -> vector<2048x64xf32>
    %add3A_40 = arith.addf %add3A, %dot_general3A_39 : vector<2048x64xf32>
    %get3A_41 = arith.constant 0 : index
    %get3A_42 = arith.constant 0 : index
    %get3A_43 = vector.load %arg9[%get3A_41, %get3A_42] : memref<1x64xf32, #tpu.memory_space<vmem>>, vector<1x64xf32>
    %add3A_44 = vector.broadcast %get3A_43 : vector<1x64xf32> to vector<2048x64xf32>
    %add3A_45 = arith.addf %add3A_40, %add3A_44 : vector<2048x64xf32>
    %max3A = arith.constant 0.000000e+00 : f32
    %max3A_46 = vector.broadcast %max3A : f32 to vector<2048x64xf32>
    %max3A_47 = arith.maximumf %add3A_45, %max3A_46 : vector<2048x64xf32>
    %get3A_48 = arith.constant 0 : index
    %get3A_49 = arith.constant 0 : index
    %get3A_50 = vector.load %arg10[%get3A_48, %get3A_49] : memref<64x32xf32, #tpu.memory_space<vmem>>, vector<64x32xf32>
    %dot_general3A_51 = arith.constant dense<0.000000e+00> : vector<2048x32xf32>
    %dot_general3A_52 = tpu.matmul %max3A_47, %get3A_50, %dot_general3A_51 {dimension_numbers = #tpu.dot_dimension_numbers<[1], [0], [0], [1], [0, 0, 1, 1], [], []>, transpose_lhs_hint = false} : vector<2048x64xf32>, vector<64x32xf32>, vector<2048x32xf32> -> vector<2048x32xf32>
    %get3A_53 = arith.constant 0 : index
    %get3A_54 = arith.constant 0 : index
    %get3A_55 = vector.load %arg11[%get3A_53, %get3A_54] : memref<1x32xf32, #tpu.memory_space<vmem>>, vector<1x32xf32>
    %add3A_56 = vector.broadcast %get3A_55 : vector<1x32xf32> to vector<2048x32xf32>
    %add3A_57 = arith.addf %dot_general3A_52, %add3A_56 : vector<2048x32xf32>
    %swap3A = arith.constant 0 : index
    %swap3A_58 = arith.constant 0 : index
    %swap3A_59 = vector.load %arg12[%swap3A, %swap3A_58] : memref<2048x32xf32, #tpu.memory_space<vmem>>, vector<2048x32xf32>
    tpu.vector_store %arg12[%swap3A, %swap3A_58], %add3A_57 {strides = array<i32>} : memref<2048x32xf32, #tpu.memory_space<vmem>>, vector<2048x32xf32>,
    return
  }
  func.func @transform_0(%arg0: i32) -> (i32, i32) {
    %c0_i32 = arith.constant 0 : i32
    %c0_i32_0 = arith.constant 0 : i32
    return %arg0, %c0_i32 : i32, i32
  }
  func.func @transform_1(%arg0: i32) -> (i32, i32) {
    %c0_i32 = arith.constant 0 : i32
    %c0_i32_0 = arith.constant 0 : i32
    return %arg0, %c0_i32 : i32, i32
  }
  func.func @transform_2(%arg0: i32) -> (i32, i32) {
    %c0_i32 = arith.constant 0 : i32
    %c0_i32_0 = arith.constant 0 : i32
    return %arg0, %c0_i32 : i32, i32
  }
  func.func @transform_3(%arg0: i32) -> (i32, i32) {
    %c0_i32 = arith.constant 0 : i32
    %c0_i32_0 = arith.constant 0 : i32
    %c0_i32_1 = arith.constant 0 : i32
    return %c0_i32, %c0_i32_0 : i32, i32
  }
  func.func @transform_4(%arg0: i32) -> (i32, i32) {
    %c0_i32 = arith.constant 0 : i32
    %c0_i32_0 = arith.constant 0 : i32
    %c0_i32_1 = arith.constant 0 : i32
    return %c0_i32, %c0_i32_0 : i32, i32
  }
  func.func @transform_5(%arg0: i32) -> (i32, i32) {
    %c0_i32 = arith.constant 0 : i32
    %c0_i32_0 = arith.constant 0 : i32
    %c0_i32_1 = arith.constant 0 : i32
    return %c0_i32, %c0_i32_0 : i32, i32
  }
  func.func @transform_6(%arg0: i32) -> (i32, i32) {
    %c0_i32 = arith.constant 0 : i32
    %c0_i32_0 = arith.constant 0 : i32
    %c0_i32_1 = arith.constant 0 : i32
    return %c0_i32, %c0_i32_0 : i32, i32
  }
  func.func @transform_7(%arg0: i32) -> (i32, i32) {
    %c0_i32 = arith.constant 0 : i32
    %c0_i32_0 = arith.constant 0 : i32
    %c0_i32_1 = arith.constant 0 : i32
    return %c0_i32, %c0_i32_0 : i32, i32
  }
  func.func @transform_8(%arg0: i32) -> (i32, i32) {
    %c0_i32 = arith.constant 0 : i32
    %c0_i32_0 = arith.constant 0 : i32
    %c0_i32_1 = arith.constant 0 : i32
    return %c0_i32, %c0_i32_0 : i32, i32
  }
  func.func @transform_9(%arg0: i32) -> (i32, i32) {
    %c0_i32 = arith.constant 0 : i32
    %c0_i32_0 = arith.constant 0 : i32
    %c0_i32_1 = arith.constant 0 : i32
    return %c0_i32, %c0_i32_0 : i32, i32
  }
  func.func @transform_10(%arg0: i32) -> (i32, i32) {
    %c0_i32 = arith.constant 0 : i32
    %c0_i32_0 = arith.constant 0 : i32
    %c0_i32_1 = arith.constant 0 : i32
    return %c0_i32, %c0_i32_0 : i32, i32
  }
  func.func @transform_11(%arg0: i32) -> (i32, i32) {
    %c0_i32 = arith.constant 0 : i32
    %c0_i32_0 = arith.constant 0 : i32
    return %arg0, %c0_i32 : i32, i32
  }
}

</mosaic_0001>

<sc_bundles>
// kernel: kernel.4.cloned.1.call-start
scs
__scs_entry_jumppad:
0x0: {  	(pc) =	sbr.rel $0x88, $3  }
0x1: {  	(tag) =	ssettag $0x0;
	lr =	simm.s32 $0x1  }
0x2: {  	[smem:$0x3F97] =	sst lr;
	_ =	strace $0xD0000000  }
0x3: {  	_ = 	snop  }
0x4: {  	_ = 	snop  }
0x5: {  	_ = 	snop  }
0x6: {  	_ = 	snop  }
0x7: {  	_ = 	snop  }
__scs_overlays_trampoline_lowered:
0x8: {  	[smem:$0x3FA6] =	sst s0  }
0x9: {  	[smem:$0x3FA7] =	sst s1  }
0xa: {  	[smem:$0x3FA8] =	sst s2  }
0xb: {  	[smem:$0x3FA9] =	sst s3  }
0xc: {  	[smem:$0x3FAA] =	sst s4  }
0xd: {  	[smem:$0x3FAB] =	sst s5  }
0xe: {  	[smem:$0x3FAC] =	sst s6  }
0xf: {  	[smem:$0x3FAD] =	sst s7  }
0x10: {  	[smem:$0x3FAE] =	sst s8  }
0x11: {  	[smem:$0x3FAF] =	sst s9;
	s0 =	simm.s32 @!p0 $0x0  }
0x12: {  	s1 =	sld [smem:$0x3F95];
	s0 =	simm.s32 @p0 $0x1  }
0x13: {  	[smem:$0x3FB0] =	sst s0;
	s0 =	simm.s32 @!p1 $0x0  }
0x14: {  	s2 =	sld [smem:$0x3F94];
	s0 =	simm.s32 @p1 $0x1  }
0x15: {  	[smem:$0x3FB1] =	sst s0;
	s0 =	simm.s32 @!p2 $0x0  }
0x16: {  	s3 =	sld [smem:$0x3FDB];
	s0 =	simm.s32 @p2 $0x1  }
0x17: {  	s4 =	simm.s32 $0x1BF5;
	[smem:$0x3FB3] =	sst s0  }
0x18: {  	s0 =	sld [smem:$0x3F96];
	_ =	swait.ge [sflag:s4], $0x0  }
0x19: {  	s7 =	sld [smem:$0x3F97]  }
0x1a: {  	s8 =	sadd.s32 $0xFFFFE003, lr  }
0x1b: {  	s9 =	sadd.s32 $0xFFFFFEF7, lr;
	s5 =	simm.s32 $0xFFFFFFFF;
	p2 =	slt.u32 s8, $0xFFFFF086  }
0x1c: {  	p1 =	slt.u32 s9, $0xF7A;
	s5 =	simm.s32 @!p2 $0x0  }
0x1d: {  	s5 =	simm.s32 @p1 $0x1;
	p0 =	seq.s32 s7, s2  }
0x1e: {  	s7 =	smul.u32 @!p0 $0xF7A, s2;
	p2 =	seq.s32 @!p0 s5, $0x0  }
0x1f: {  	s9 =	smul.u32 $0xF7A, s1;
	s8 =	simm.s32 @!p0 $0x1BF5;
	p2 =	por !p2, p0  }
0x20: {  	[sflag:s8] =	ssyncset.s32 @!p0 $0xFFFFF086;
	s6 =	sadd.s32 @!p0 s3, s7;
	s7 =	simm.s32 @!p0 $0x108  }
0x21: {  	s3 =	sadd.s32 s3, s9;
	s6 =	sadd.s32 @!p0 $0x88, s6;
	s7 =	simm.s32 @p2 $0x1082  }
0x22: {  	[simem:s7], [sflag:s8] =	dma.local @!p0 [hbm:s6], $0xF7A  }
0x23: {  	s9 =	sor.u32 $0xD0000000, s2;
	s6 =	simm.s32 $0x108;
	_ =	swait.ge @!p0 [sflag:s8], $0x0  }
0x24: {  	s3 =	sadd.s32 $0x88, s3;
	s6 =	simm.s32 @!p1 $0x1082;
	[sflag:s4] =	ssyncset.s32 $0xFFFFF086  }
0x25: {  	[simem:s6], [sflag:s4] =	dma.local [hbm:s3], $0xF7A  }
0x26: {  	[smem:$0x3F97] =	sst s1;
	(tag) =	ssettag s2;
	_ =	strace s9  }
0x27: {  	s1 =	sld [smem:$0x3FA7]  }
0x28: {  	s2 =	sld [smem:$0x3FA8]  }
0x29: {  	s4 =	sld [smem:$0x3FAA]  }
0x2a: {  	p0 =	seq.s32 s5, $0x0;
	s5 =	sld [smem:$0x3FAB]  }
0x2b: {  	s6 =	sld [smem:$0x3FAC]  }
0x2c: {  	s7 =	sld [smem:$0x3FAD]  }
0x2d: {  	s3 =	simm.s32 $0x108;
	s8 =	sld [smem:$0x3FAE]  }
0x2e: {  	s3 =	simm.s32 @!p0 $0x1082;
	s9 =	sld [smem:$0x3FAF]  }
0x2f: {  	lr =	sadd.s32 s0, s3;
	s0 =	sld [smem:$0x3FA6]  }
0x30: {  	s3 =	sld [smem:$0x3FA9]  }
0x31: {  	[smem:$0x3FB2] =	sst s10  }
0x32: {  	s10 =	sld [smem:$0x3FB0];
	_ =	sdelay $0x3  }
0x33: {  	p0 =	seq.s32 s10, $0x1;
	s10 =	sld [smem:$0x3FB2];
	_ =	sdelay $0x3  }
0x34: {  	[smem:$0x3FB2] =	sst s10  }
0x35: {  	s10 =	sld [smem:$0x3FB1];
	_ =	sdelay $0x3  }
0x36: {  	p1 =	seq.s32 s10, $0x1;
	s10 =	sld [smem:$0x3FB2];
	_ =	sdelay $0x3  }
0x37: {  	[smem:$0x3FB2] =	sst s10  }
0x38: {  	s10 =	sld [smem:$0x3FB3]  }
0x39: {  	_ = 	snop;
	(pc) =	sbr.ind lr, $3  }
0x3a: {  	_ = 	snop  }
0x3b: {  	_ = 	snop  }
0x3c: {  	p2 =	seq.s32 s10, $0x1;
	s10 =	sld [smem:$0x3FB2]  }
0x3d: {  	_ =	shalt  }
0x3e: {  	_ =	shalt  }
0x3f: {  	_ =	shalt  }
0x40: {  	_ =	shalt  }
0x41: {  	_ =	shalt  }
0x42: {  	_ =	shalt  }
0x43: {  	_ =	shalt  }
0x44: {  	_ =	shalt  }
0x45: {  	_ =	shalt  }
0x46: {  	_ =	shalt  }
0x47: {  	_ =	shalt  }
0x48: {  	_ =	shalt  }
0x49: {  	_ =	shalt  }
0x4a: {  	_ =	shalt  }
0x4b: {  	_ =	shalt  }
0x4c: {  	_ =	shalt  }
0x4d: {  	_ =	shalt  }
0x4e: {  	_ =	shalt  }
0x4f: {  	_ =	shalt  }
0x50: {  	_ =	shalt  }
0x51: {  	_ =	shalt  }
0x52: {  	_ =	shalt  }
0x53: {  	_ =	shalt  }
0x54: {  	_ =	shalt  }
0x55: {  	_ =	shalt  }
0x56: {  	_ =	shalt  }
0x57: {  	_ =	shalt  }
0x58: {  	_ =	shalt  }
0x59: {  	_ =	shalt  }
0x5a: {  	_ =	shalt  }
0x5b: {  	_ =	shalt  }
0x5c: {  	_ =	shalt  }
0x5d: {  	_ =	shalt  }
0x5e: {  	_ =	shalt  }
0x5f: {  	_ =	shalt  }
0x60: {  	_ =	shalt  }
0x61: {  	_ =	shalt  }
0x62: {  	_ =	shalt  }
0x63: {  	_ =	shalt  }
0x64: {  	_ =	shalt  }
0x65: {  	_ =	shalt  }
0x66: {  	_ =	shalt  }
0x67: {  	_ =	shalt  }
0x68: {  	_ =	shalt  }
0x69: {  	_ =	shalt  }
0x6a: {  	_ =	shalt  }
0x6b: {  	_ =	shalt  }
0x6c: {  	_ =	shalt  }
0x6d: {  	_ =	shalt  }
0x6e: {  	_ =	shalt  }
0x6f: {  	_ =	shalt  }
0x70: {  	_ =	shalt  }
0x71: {  	_ =	shalt  }
0x72: {  	_ =	shalt  }
0x73: {  	_ =	shalt  }
0x74: {  	_ =	shalt  }
0x75: {  	_ =	shalt  }
0x76: {  	_ =	shalt  }
0x77: {  	_ =	shalt  }
0x78: {  	_ =	shalt  }
0x79: {  	_ =	shalt  }
0x7a: {  	_ =	shalt  }
0x7b: {  	_ =	shalt  }
0x7c: {  	_ =	shalt  }
0x7d: {  	_ =	shalt  }
0x7e: {  	_ =	shalt  }
0x7f: {  	_ =	shalt  }
0x80: {  	_ =	shalt  }
0x81: {  	_ =	shalt  }
0x82: {  	_ =	shalt  }
0x83: {  	_ =	shalt  }
0x84: {  	_ =	shalt  }
0x85: {  	_ =	shalt  }
0x86: {  	_ =	shalt  }
0x87: {  	_ =	shalt  }
.Lfunc_end0:
.L_simem_size_0:
called_computation_lowered:
.L_overlay_start_0:
0x88: {  	s2 =	sld [smem:$0x3FD9]  }
0x89: {  	s3 =	sld [smem:$0x3FFE];
	_ =	sdelay $0x1  }
0x8a: {  	s1 =	srdreg.scid  }
0x8b: {  	s0 =	sand.u32 $0x1, s1  }
0x8c: {  	s17 =	sshll.u32 s0, $0xA;
	s2 =	sadd.s32 s3, s2  }
0x8d: {  	s2 =	sadd.s32 s2, s17  }
0x8e: {  	[smem:$0x3FBE] =	sst s2  }
0x8f: {  	_ = 	snop  }
0x90: {  	s2 =	sld [smem:$0x3FC9];
	(tm) =	ssettm $0x1  }
0x91: {  	s18 =	sld [smem:$0x3FFB];
	_ =	sdelay $0x3  }
0x92: {  	_ =	strace s18  }
0x93: {  	s3 =	sld [smem:$0x3FFC];
	_ =	sdelay $0x3  }
0x94: {  	_ =	strace s3  }
0x95: {  	s3 =	sld [smem:$0x3FFD];
	_ =	sdelay $0x3  }
0x96: {  	_ =	strace s3  }
0x97: {  	_ =	strace $0x8FFFFFFF  }
0x98: {  	s19 =	sld [smem:$0x3FDB];
	_ =	sdelay $0x1  }
0x99: {  	s4 =	simm.s32 $_scs_section_size  }
0x9a: {  	s5 =	simm.s32 $_size__tile_overlayer_lowered;
	s6 =	simm.s32 $_tile_overlayer_lowered  }
0x9b: {  	s22 =	simm.s32 $0x1BFF;
	s21 =	sshll.u32 s6, $0x1;
	s3 =	sadd.s32 s4, s19  }
0x9c: {  	s7 =	simm.s32 $0x0;
	s20 =	sshll.u32 s5, $0x1;
	s5 =	sadd.s32 s21, s3  }
0x9d: {  	[timem:s7], [sflag:s22] =	dma.local [hbm:s5], s20  }
0x9e: {  	_ =	swait.ge [sflag:s22], s20  }
0x9f: {  	s4 =	ssub.s32 $0x0, s20;
	[sflag:s22] =	ssyncset.done $0x0  }
0xa0: {  	[sflag:s22] =	ssyncadd.s32 s4;
	_ =	sdelay $0x1  }
0xa1: {  	s23 =	simm.s32 $0x1B8B  }
0xa2: {  	_ =	swait.ge [sflag:s23], $0x1  }
0xa3: {  	[sflag:s23] =	ssyncset.done $0x0  }
0xa4: {  	s25 =	simm.s32 $0x1B8E;
	s24 =	sld [smem:$0x3FFE];
	[sflag:s23] =	ssyncadd.s32 $0xFFFFFFFF  }
0xa5: {  	s26 =	simm.s32 $execute0_lowered;
	[smem:$0x3FD2] =	sst s25  }
0xa6: {  	s5 =	sshll.u32 s26, $0x1;
	_ =	strace $0x80000046;
	[dreg:$0x1] =	wrdreg $0xFFFFFFFF  }
0xa7: {  	s28 =	simm.s32 $_size_execute0_lowered;
	s3 =	sadd.s32 s3, s5;
	[dreg:$0x0] =	wrdreg $0x0  }
0xa8: {  	s5 =	sshll.u32 s28, $0x1;
	[dreg:$0x2] =	wrdreg s3  }
0xa9: {  	[dreg:$0x3] =	wrdreg s5  }
0xaa: {  	[dreg:$0x4] =	wrdreg $0xC0  }
0xab: {  	_ =	task [dreg:s7], $0x5FFFF  }
0xac: {  	[dreg:$0x1] =	wrdreg $0xFFFFFFFF  }
0xad: {  	[dreg:$0x0] =	wrdreg $0x60  }
0xae: {  	[dreg:$0x2] =	wrdreg s2  }
0xaf: {  	[dreg:$0x3] =	wrdreg s24  }
0xb0: {  	[dreg:$0x4] =	wrdreg $0x9  }
0xb1: {  	_ =	task.clear_ibuf [dreg:s7], $0x5FFFF;
	_ =	strace $0x90000046  }
0xb2: {  	s29 =	simm.s32 $0x9;
	_ =	strace $0x80000048  }
0xb3: {  	_ =	swait.ge [sflag:s29], $0x1  }
0xb4: {  	[sflag:s29] =	ssyncadd.s32 $0xFFFFFFFF  }
0xb5: {  	_ =	strace $0x90000048  }
0xb6: {  	_ =	sfence  }
0xb7: {  	s30 =	sld [smem:$0x0];
	_ =	sdelay $0x2  }
0xb8: {  	s31 =	sshll.u32 s1, $0xD;
	s1 =	sshrl.u32 s1, $0x2  }
0xb9: {  	s3 =	sand.u32 $0x4000, s31;
	s1 =	sadd.s32 s1, s30  }
0xba: {  	s0 =	sor.u32 s3, s0;
	s1 =	sshll.u32 s1, $0x11  }
0xbb: {  	s0 =	sor.u32 s1, s0  }
0xbc: {  	s0 =	sadd.s32 $0x8F2B, s0  }
0xbd: {  	[sflag:s0] =	ssyncadd.remote.s32 $0x1  }
0xbe: {  	_ =	sfence.sel $0xFFFF  }
0xbf: {  	[dreg:$0x0] =	wrdreg $0xFFFFFFFF;
	(pc) =	sbr.abs _section_cstart, $3  }
0xc0: {  	[dreg:$0x1] =	wrdreg $0xFFFFFFFF  }
0xc1: {  	_ =	task.clear_ibuf [dreg:s7], $0x2FFFF;
	_ =	strace $0x9FFFFFFF  }
0xc2: {  	(tm) =	ssettm $0x7FFFFFFF  }
0xc3: {  	_ =	shalt  }
tec
execute0_lowered:
.L_overlay_start_1:
0x0: {  	(tag) =	ssettag $0x1  }
0x1: {  	s4 =	rddreg [dreg:$0x0]  }
0x2: {  	s5 =	rddreg [dreg:$0x1]  }
0x3: {  	s0 =	rddreg [dreg:$0x2];
	s2 =	simm.s32 $0x0;
	s3 =	srdreg.scid  }
0x4: {  	s1 =	stileid.u32;
	s10 =	simm.s32 $0x0;
	s6 =	sand.u32 $0x1, s3  }
0x5: {  	[smem:$0x7FF] =	sst s2;
	s7 =	sshll.u32 s1, $0xA;
	s8 =	sshll.u32 s6, $0x9  }
0x6: {  	s3 =	sadd.s32 $0x1800, s5;
	s6 =	ssub.s32 $0x2, s6;
	s7 =	sor.u32 s8, s7  }
0x7: {  	_ =	strace $0x80000047;
	s9 =	sshrl.u32 s6, $0x1;
	s8 =	sshll.u32 s7, $0x4  }
0x8: {  	s7 =	sshrl.u32 s7, $0x3;
	s6 =	ssub.s32 s6, s9;
	s9 =	simm.s32 $0x200  }
0x9: {  	s5 =	sadd.s32 s8, s5;
	s4 =	sadd.s32 s4, s7;
	s6 =	smax.u32 s6, $0x1  }
0xa: {  	s7 =	simm.s32 $0x2;
	s8 =	simm.s32 $0x1;
	s5 =	sadd.s32 $0xF43E00, s5  }
.LBB2_1:
0xb: {  	[tilespmem:s2], [sflag:$0x2] =	stream.linear.gather [hbm4b:s4+s2], $0x200, $0x38;
	[tilespmem:$0x10200] =	vst v63  }
0xc: {  	_ =	swait.ge [sflag:s7], $0x200  }
0xd: {  	[sflag:s7] =	ssyncset.done $0x0  }
0xe: {  	s11 =	simm.s32 $0x0;
	[sflag:s7] =	ssyncadd.s32 $0xFFFFFE00  }
0xf: {  	v0 =	vld.msk [tilespmem:s11+$0x0], $0x1;
	_ =	sdelay $0x4  }
0x10: {  	(v2sf) =	vpush v0, $0x0;
	_ =	sdelay $0xe  }
0x11: {  	s30 =	spop (v2sf)  }
0x12: {  	s11 =	sshll.u32 s30, $0x4  }
0x13: {  	s11 =	sand.u32 $0x1FFFFFF0, s11  }
0x14: {  	s31 =	simm.s32 $0x1;
	s11 =	sadd.s32 s3, s11  }
0x15: {  	[tilespmem:s9], [sflag:$0x1] =	stream.linear.gather [hbm4b:s11+s2], $0x80, $0x38;
	[tilespmem:$0x10200] =	vst v63  }
0x16: {  	s12 =	simm.s32 $0x8;
	s11 =	simm.s32 $0x200;
	v0 =	vld.msk [tilespmem:s31+$0x0], $0x1  }
.LBB2_2:
0x17: {  	p0 =	sne.s32 s12, $0x7FC;
	_ =	sdelay $0x3  }
0x18: {  	(v2sf) =	vpush v0, $0x0;
	_ =	sdelay $0xe  }
0x19: {  	s13 =	spop (v2sf)  }
.Ltmp0:
0x1a: {  	s13 =	sshll.u32 s13, $0x4;
	(pc) =	sbr.rel @p0 .LBB2_2-.Ltmp0, $4  }
0x1b: {  	s13 =	sand.u32 $0x1FFFFFF0, s13  }
0x1c: {  	s14 =	sshra.s32 s12, $0x2;
	s11 =	sadd.s32 $0x80, s11;
	s13 =	sadd.s32 s3, s13  }
0x1d: {  	[tilespmem:s11], [sflag:$0x1] =	stream.linear.gather [hbm4b:s13+s2], $0x80, $0x38;
	[tilespmem:$0x10200] =	vst v63  }
0x1e: {  	s12 =	sadd.s32 $0x4, s12;
	v0 =	vld.msk [tilespmem:s14+$0x0], $0x1  }
0x1f: {  	_ =	sdelay $0x3  }
0x20: {  	(v2sf) =	vpush v0, $0x0;
	_ =	sdelay $0xe  }
0x21: {  	s12 =	spop (v2sf)  }
0x22: {  	s12 =	sshll.u32 s12, $0x4  }
0x23: {  	s12 =	sand.u32 $0x1FFFFFF0, s12  }
0x24: {  	s11 =	sadd.s32 $0x80, s11;
	s12 =	sadd.s32 s3, s12  }
0x25: {  	[tilespmem:s11], [sflag:$0x1] =	stream.linear.gather [hbm4b:s12+s2], $0x80, $0x38;
	[tilespmem:$0x10200] =	vst v63  }
0x26: {  	s10 =	sadd.s32 $0x1, s10;
	_ =	swait.ge [sflag:s8], $0x10000  }
0x27: {  	p0 =	sne.s32 s10, s6;
	[sflag:s8] =	ssyncset.done $0x0  }
.Ltmp1:
0x28: {  	[sflag:s8] =	ssyncadd.s32 $0xFFFF0000;
	(pc) =	sbr.rel @p0 .LBB2_1-.Ltmp1, $4  }
0x29: {  	[hbm4b:s5+s2] =	stream.linear.scatter [tilespmem:s9], [sflag:$0x2], $0x10000, $0x38;
	[tilespmem:$0x10200] =	vst v63  }
0x2a: {  	_ =	swait.ge [sflag:s7], $0x10000  }
0x2b: {  	[sflag:s7] =	ssyncset.done $0x0  }
0x2c: {  	[sflag:s7] =	ssyncadd.s32 $0xFFFF0000  }
0x2d: {  	_ =	sfence.sel $0x180000  }
0x2e: {  	[bflag:$0x0] =	sbarrier.arrive $0xFFFF  }
0x2f: {  	p0 =	sne.s32 s1, $0x0;
	_ =	strace $0x90000047  }
0x30: {  	s0 =	sadd.s32 @!p0 $0x100000, s0;
	[bflag:$0x2] =	sbarrier.arrive $0xFFFF  }
0x31: {  	[sflag:s0] =	ssyncadd.tile.s32 @!p0 $0x1;
	_ =	shalt  }
.Lfunc_end2:
_tile_overlayer_lowered:
.L_overlay_start_2:
0x32: {  	(tag) =	ssettag $0x2  }
0x33: {  	s0 =	rddreg [dreg:$0x0];
	s2 =	stileid.u32  }
0x34: {  	s1 =	rddreg [dreg:$0x1];
	p0 =	sne.s32 s2, $0x0  }
0x35: {  	s3 =	rddreg [dreg:$0x2];
	[bflag:$0x3] =	sbarrier.arrive $0xFFFF;
	s2 =	simm.s32 @!p0 $0x1C02  }
0x36: {  	[timem:s3], [sflag:s2] =	dma.local @!p0 [hbm:s0], s1  }
0x37: {  	s0 =	simm.s32 @!p0 $0x2  }
0x38: {  	_ =	swait.ge @!p0 [sflag:s0], s1  }
0x39: {  	s1 =	ssub.s32 @!p0 $0x0, s1;
	[sflag:s0] =	ssyncset.done @!p0 $0x0  }
0x3a: {  	[sflag:s0] =	ssyncadd.s32 @!p0 s1  }
0x3b: {  	[bflag:$0x3] =	sbarrier.arrive $0xFFFF  }
0x3c: {  	_ =	shalt  }

</sc_bundles>
